<compile_context>
chip_gen: v7x
topology: tpu7x:2x2x1
jax: 0.10.2.dev20260603
libtpu: 0.0.44.dev20260713+nightly
codegen_flags: <defaults>
</compile_context>

<pallas_src>
import jax
import jax.numpy as jnp
from jax import lax
from jax.experimental import pallas as pl
from jax.experimental.pallas import tpu as pltpu
from jax.experimental.pallas import tpu_sc as plsc

_N_NODE = 1000000
_B = 16384
_R = 4
_D = 32

_NC = 2
_NS = 16
_NW = _NC * _NS
_BPW = _B // _NW


def _sc_gather_body(ht_tab, rel_tab, idx_ht, idx_rel, ht_out, rel_out,
                    idx_ht_v, idx_rel_v, ht_v, rel_v, sem1, sem2):
    wid = lax.axis_index("s") * _NC + lax.axis_index("c")
    base = wid * _BPW
    pltpu.sync_copy(idx_ht.at[pl.ds(base, _BPW)], idx_ht_v)
    pltpu.sync_copy(idx_rel.at[pl.ds(base * _R, _BPW * _R)], idx_rel_v)
    cp1 = pltpu.async_copy(ht_tab.at[idx_ht_v], ht_v, sem1)
    cp2 = pltpu.async_copy(rel_tab.at[idx_rel_v], rel_v, sem2)
    cp1.wait()
    cp2.wait()
    pltpu.sync_copy(ht_v, ht_out.at[pl.ds(base, _BPW)])
    pltpu.sync_copy(rel_v, rel_out.at[pl.ds(base * _R, _BPW * _R)])


def _sc_gather(ht_tab, rel_tab, idx_ht, idx_rel):
    mesh = plsc.VectorSubcoreMesh(core_axis_name="c", subcore_axis_name="s")
    fn = pl.kernel(
        _sc_gather_body,
        mesh=mesh,
        out_type=(
            jax.ShapeDtypeStruct((_B, _D), jnp.float32),
            jax.ShapeDtypeStruct((_B * _R, _D), jnp.float32),
        ),
        scratch_types=[
            pltpu.VMEM((_BPW,), jnp.int32),
            pltpu.VMEM((_BPW * _R,), jnp.int32),
            pltpu.VMEM((_BPW, _D), jnp.float32),
            pltpu.VMEM((_BPW * _R, _D), jnp.float32),
            pltpu.SemaphoreType.DMA,
            pltpu.SemaphoreType.DMA,
        ],
        compiler_params=pltpu.CompilerParams(use_tc_tiling_on_sc=False),
    )
    return fn(ht_tab, rel_tab, idx_ht, idx_rel)


def _tc_loss_body(ht_ref, rel_ref, gt_ref, out_ref):
    i = pl.program_id(0)
    ht = ht_ref[...]
    s_ht = jnp.sum(ht * ht, axis=-1, keepdims=True)
    inv_ht = 1.0 / jnp.maximum(jnp.sqrt(s_ht), 1e-12)
    total = jnp.zeros((1, 1), jnp.float32)
    for r in range(_R):
        rel = rel_ref[:, r * _D:(r + 1) * _D]
        dot = jnp.sum(rel * ht, axis=-1, keepdims=True)
        ss = jnp.sum(rel * rel, axis=-1, keepdims=True)
        inv_rel = 1.0 / jnp.maximum(jnp.sqrt(ss), 1e-12)
        score = dot * inv_rel * inv_ht
        z = -score * gt_ref[:, r:r + 1]
        loss = jnp.maximum(z, 0.0) + jnp.log1p(jnp.exp(-jnp.abs(z)))
        total = total + jnp.sum(loss, axis=0, keepdims=True)

    @pl.when(i == 0)
    def _():
        out_ref[...] = jnp.zeros((1, 1), jnp.float32)

    out_ref[...] += total * (1.0 / (_B * _R))


def _tc_loss(ht_rows, rel_rows, gt):
    nb = 1024
    grid = _B // nb
    return pl.pallas_call(
        _tc_loss_body,
        grid=(grid,),
        in_specs=[
            pl.BlockSpec((nb, _D), lambda i: (i, 0)),
            pl.BlockSpec((nb, _R * _D), lambda i: (i, 0)),
            pl.BlockSpec((nb, _R), lambda i: (i, 0)),
        ],
        out_specs=pl.BlockSpec((1, 1), lambda i: (0, 0)),
        out_shape=jax.ShapeDtypeStruct((1, 1), jnp.float32),
    )(ht_rows, rel_rows, gt)


def kernel(hyper_node_embeddings, base, base_edge_index, ground_truth, rel_table):
    idx_ht = (jnp.reshape(base_edge_index, (_B,)) - _N_NODE).astype(jnp.int32)
    idx_rel = jnp.reshape(base, (_B * _R,)).astype(jnp.int32)
    ht_rows, rel_rows = _sc_gather(hyper_node_embeddings, rel_table, idx_ht, idx_rel)
    out = _tc_loss(ht_rows, jnp.reshape(rel_rows, (_B, _R * _D)), ground_truth)
    return out[0, 0]

# --- scband reference (transcript-rebuilt; emitter-appended) ---
"""Pipeline reference for scband-hyper-graph-v4-72224170049552 (READ-ONLY COPY).

The authoritative reference and input builder live on the scoring server;
editing this copy changes nothing except your own understanding.
"""

import jax, jax.numpy as jnp
import numpy as np

N_NODE = 1000000
N_HYPER_EDGE = 1000000
VOCAB = 1000000
D = 32
B = 16384
R = 4


def _l2norm(x, eps=1e-12):
    # faithful to torch F.normalize(p=2, dim=-1)
    n = jnp.linalg.norm(x, axis=-1, keepdims=True)
    return x / jnp.maximum(n, eps)


def setup_inputs(seed: int = 0) -> dict:
    key = jax.random.key(seed)
    k1, k2, k3, k4, k5 = jax.random.split(key, 5)
    hyper_node_embeddings = jax.random.normal(k1, (N_HYPER_EDGE, D), dtype=jnp.float32) * 0.02
    base = jax.random.randint(k2, (B, R), 0, VOCAB)
    # raw hyper-edge ids are offset by n_node in the original pipeline
    base_edge_index = jax.random.randint(k3, (B,), 0, N_HYPER_EDGE) + N_NODE
    ground_truth = jnp.sign(jax.random.uniform(k4, (B, R), dtype=jnp.float32) - 0.5)
    # learned relation embedding table (self.embedding in the torch module)
    rel_table = jax.random.normal(k5, (VOCAB, D), dtype=jnp.float32) * 0.02
    return {
        'hyper_node_embeddings': hyper_node_embeddings,
        'base': base,
        'base_edge_index': base_edge_index,
        'ground_truth': ground_truth,
        'rel_table': rel_table,
    }


def reference(hyper_node_embeddings, base, base_edge_index, ground_truth, rel_table):
    # HyperGraphV4.train_base_pre_relation, the runnable embedding-lookup path
    idx = jnp.squeeze(base_edge_index) - N_NODE
    ht_embedding = jnp.take(hyper_node_embeddings, idx, axis=0)          # [B, D] gather
    rel_emb = jnp.take(rel_table, base.reshape(-1), axis=0)              # [B*R, D] gather
    rel_emb = rel_emb.reshape(base.shape[0], -1, D)                      # [B, R, D]
    rel_emb = _l2norm(rel_emb)
    ht_embedding = _l2norm(ht_embedding)
    score = jnp.einsum('brd,bd->br', rel_emb, ht_embedding)              # rel_emb @ ht[...,None]
    loss = jnp.mean(jax.nn.softplus(-score * ground_truth))
    return loss

if __name__ == "__main__":
    import jax
    _d = setup_inputs()
    print(jax.jit(kernel)(*tuple(_d.values())))

</pallas_src>

<mosaic_0001>
#map = affine_map<(d0, d1) -> (0, 0)>
#map1 = affine_map<(d0, d1) -> (0)>
module attributes {stable_mosaic.version = 14 : i64} {
  func.func @_sc_gather_body(%arg0: i32, %arg1: i32, %arg2: memref<1000000x32xf32, #tpu.memory_space<hbm>>, %arg3: memref<1000000x32xf32, #tpu.memory_space<hbm>>, %arg4: memref<16384xi32, #tpu.memory_space<hbm>>, %arg5: memref<65536xi32, #tpu.memory_space<hbm>>, %arg6: memref<16384x32xf32, #tpu.memory_space<hbm>>, %arg7: memref<65536x32xf32, #tpu.memory_space<hbm>>, %arg8: memref<512xi32, #tpu.memory_space<vmem>>, %arg9: memref<2048xi32, #tpu.memory_space<vmem>>, %arg10: memref<512x32xf32, #tpu.memory_space<vmem>>, %arg11: memref<2048x32xf32, #tpu.memory_space<vmem>>, %arg12: memref<!tpu.dma_semaphore, #tpu.memory_space<semaphore_mem>>, %arg13: memref<!tpu.dma_semaphore, #tpu.memory_space<semaphore_mem>>) attributes {dimension_semantics = [#tpu.dimension_semantics<core_parallel>, #tpu.dimension_semantics<subcore_parallel>], iteration_bounds = array<i64: 2, 16>, scalar_prefetch = 0 : i64, scratch_operands = 6 : i64, tpu.core_type = #tpu.core_type<sc_vector_subcore>, window_params = [{transform_indices = #map}, {transform_indices = #map}, {transform_indices = #map1}, {transform_indices = #map1}, {transform_indices = #map}, {transform_indices = #map}]} {
    %mul3A = arith.constant 2 : i32
    %mul3A_0 = arith.muli %arg1, %mul3A : i32
    %add3A = arith.addi %mul3A_0, %arg0 : i32
    %mul3A_1 = arith.constant 512 : i32
    %mul3A_2 = arith.muli %add3A, %mul3A_1 : i32
    "tpu.region"() ({
      %run_scoped3A = tpu.sem_alloc : memref<!tpu.dma_semaphore, #tpu.memory_space<semaphore_mem>>
      %dma_start3A_17 = tpu.memref_slice %arg4[%mul3A_2] : memref<16384xi32, #tpu.memory_space<hbm>> -> memref<512xi32, #tpu.memory_space<hbm>>
      %dma_start3A_18 = tpu.memref_slice %arg4[%mul3A_2] : memref<16384xi32, #tpu.memory_space<hbm>> -> memref<512xi32, #tpu.memory_space<hbm>>
      tpu.enqueue_dma source(%dma_start3A_18 : memref<512xi32, #tpu.memory_space<hbm>>) target(%arg8 : memref<512xi32, #tpu.memory_space<vmem>>) target_semaphore(%run_scoped3A : memref<!tpu.dma_semaphore, #tpu.memory_space<semaphore_mem>>)
      %dma_wait3A_19 = tpu.memref_slice %arg4[%mul3A_2] : memref<16384xi32, #tpu.memory_space<hbm>> -> memref<512xi32, #tpu.memory_space<hbm>>
      %dma_wait3A_20 = tpu.memref_slice %arg4[%mul3A_2] : memref<16384xi32, #tpu.memory_space<hbm>> -> memref<512xi32, #tpu.memory_space<hbm>>
      tpu.wait_dma2 semaphore(%run_scoped3A : memref<!tpu.dma_semaphore, #tpu.memory_space<semaphore_mem>>) src(%dma_wait3A_20 : memref<512xi32, #tpu.memory_space<hbm>>) dst(%arg8 : memref<512xi32, #tpu.memory_space<vmem>>)
      tpu.yield
    }) : () -> ()
    %mul3A_3 = arith.constant 4 : i32
    %mul3A_4 = arith.muli %mul3A_2, %mul3A_3 : i32
    "tpu.region"() ({
      %run_scoped3A = tpu.sem_alloc : memref<!tpu.dma_semaphore, #tpu.memory_space<semaphore_mem>>
      %dma_start3A_17 = tpu.memref_slice %arg5[%mul3A_4] : memref<65536xi32, #tpu.memory_space<hbm>> -> memref<2048xi32, #tpu.memory_space<hbm>>
      %dma_start3A_18 = tpu.memref_slice %arg5[%mul3A_4] : memref<65536xi32, #tpu.memory_space<hbm>> -> memref<2048xi32, #tpu.memory_space<hbm>>
      tpu.enqueue_dma source(%dma_start3A_18 : memref<2048xi32, #tpu.memory_space<hbm>>) target(%arg9 : memref<2048xi32, #tpu.memory_space<vmem>>) target_semaphore(%run_scoped3A : memref<!tpu.dma_semaphore, #tpu.memory_space<semaphore_mem>>)
      %dma_wait3A_19 = tpu.memref_slice %arg5[%mul3A_4] : memref<65536xi32, #tpu.memory_space<hbm>> -> memref<2048xi32, #tpu.memory_space<hbm>>
      %dma_wait3A_20 = tpu.memref_slice %arg5[%mul3A_4] : memref<65536xi32, #tpu.memory_space<hbm>> -> memref<2048xi32, #tpu.memory_space<hbm>>
      tpu.wait_dma2 semaphore(%run_scoped3A : memref<!tpu.dma_semaphore, #tpu.memory_space<semaphore_mem>>) src(%dma_wait3A_20 : memref<2048xi32, #tpu.memory_space<hbm>>) dst(%arg9 : memref<2048xi32, #tpu.memory_space<vmem>>)
      tpu.yield
    }) : () -> ()
    %dma_start3A = arith.constant 0 : i32
    %dma_start3A_5 = arith.constant 0 : i32
    %dma_start3A_6 = tpu.memref_slice %arg2[%dma_start3A, %dma_start3A_5] : memref<1000000x32xf32, #tpu.memory_space<hbm>> -> memref<1000000x32xf32, #tpu.memory_space<hbm>>
    tpu.enqueue_indirect_dma source(%dma_start3A_6 : memref<1000000x32xf32, #tpu.memory_space<hbm>>) target(%arg10 : memref<512x32xf32, #tpu.memory_space<vmem>>) offsets(%arg8 : memref<512xi32, #tpu.memory_space<vmem>>) semaphore(%arg12 : memref<!tpu.dma_semaphore, #tpu.memory_space<semaphore_mem>>)
    %dma_start3A_7 = arith.constant 0 : i32
    %dma_start3A_8 = arith.constant 0 : i32
    %dma_start3A_9 = tpu.memref_slice %arg3[%dma_start3A_7, %dma_start3A_8] : memref<1000000x32xf32, #tpu.memory_space<hbm>> -> memref<1000000x32xf32, #tpu.memory_space<hbm>>
    tpu.enqueue_indirect_dma source(%dma_start3A_9 : memref<1000000x32xf32, #tpu.memory_space<hbm>>) target(%arg11 : memref<2048x32xf32, #tpu.memory_space<vmem>>) offsets(%arg9 : memref<2048xi32, #tpu.memory_space<vmem>>) semaphore(%arg13 : memref<!tpu.dma_semaphore, #tpu.memory_space<semaphore_mem>>)
    %dma_wait3A = arith.constant 0 : i32
    %dma_wait3A_10 = arith.constant 0 : i32
    %dma_wait3A_11 = tpu.memref_slice %arg2[%dma_wait3A, %dma_wait3A_10] : memref<1000000x32xf32, #tpu.memory_space<hbm>> -> memref<1000000x32xf32, #tpu.memory_space<hbm>>
    tpu.wait_indirect_dma semaphore(%arg12 : memref<!tpu.dma_semaphore, #tpu.memory_space<semaphore_mem>>) src(%dma_wait3A_11 : memref<1000000x32xf32, #tpu.memory_space<hbm>>) dst(%arg10 : memref<512x32xf32, #tpu.memory_space<vmem>>)
    %dma_wait3A_12 = arith.constant 0 : i32
    %dma_wait3A_13 = arith.constant 0 : i32
    %dma_wait3A_14 = tpu.memref_slice %arg3[%dma_wait3A_12, %dma_wait3A_13] : memref<1000000x32xf32, #tpu.memory_space<hbm>> -> memref<1000000x32xf32, #tpu.memory_space<hbm>>
    tpu.wait_indirect_dma semaphore(%arg13 : memref<!tpu.dma_semaphore, #tpu.memory_space<semaphore_mem>>) src(%dma_wait3A_14 : memref<1000000x32xf32, #tpu.memory_space<hbm>>) dst(%arg11 : memref<2048x32xf32, #tpu.memory_space<vmem>>)
    "tpu.region"() ({
      %run_scoped3A = tpu.sem_alloc : memref<!tpu.dma_semaphore, #tpu.memory_space<semaphore_mem>>
      %dma_start3A_17 = arith.constant 0 : i32
      %dma_start3A_18 = tpu.memref_slice %arg6[%mul3A_2, %dma_start3A_17] : memref<16384x32xf32, #tpu.memory_space<hbm>> -> memref<512x32xf32, #tpu.memory_space<hbm>>
      %dma_start3A_19 = arith.constant 0 : i32
      %dma_start3A_20 = tpu.memref_slice %arg6[%mul3A_2, %dma_start3A_19] : memref<16384x32xf32, #tpu.memory_space<hbm>> -> memref<512x32xf32, #tpu.memory_space<hbm>>
      tpu.enqueue_dma source(%arg10 : memref<512x32xf32, #tpu.memory_space<vmem>>) target(%dma_start3A_20 : memref<512x32xf32, #tpu.memory_space<hbm>>) target_semaphore(%run_scoped3A : memref<!tpu.dma_semaphore, #tpu.memory_space<semaphore_mem>>)
      %dma_wait3A_21 = arith.constant 0 : i32
      %dma_wait3A_22 = tpu.memref_slice %arg6[%mul3A_2, %dma_wait3A_21] : memref<16384x32xf32, #tpu.memory_space<hbm>> -> memref<512x32xf32, #tpu.memory_space<hbm>>
      %dma_wait3A_23 = arith.constant 0 : i32
      %dma_wait3A_24 = tpu.memref_slice %arg6[%mul3A_2, %dma_wait3A_23] : memref<16384x32xf32, #tpu.memory_space<hbm>> -> memref<512x32xf32, #tpu.memory_space<hbm>>
      tpu.wait_dma2 semaphore(%run_scoped3A : memref<!tpu.dma_semaphore, #tpu.memory_space<semaphore_mem>>) src(%arg10 : memref<512x32xf32, #tpu.memory_space<vmem>>) dst(%dma_wait3A_24 : memref<512x32xf32, #tpu.memory_space<hbm>>)
      tpu.yield
    }) : () -> ()
    %mul3A_15 = arith.constant 4 : i32
    %mul3A_16 = arith.muli %mul3A_2, %mul3A_15 : i32
    "tpu.region"() ({
      %run_scoped3A = tpu.sem_alloc : memref<!tpu.dma_semaphore, #tpu.memory_space<semaphore_mem>>
      %dma_start3A_17 = arith.constant 0 : i32
      %dma_start3A_18 = tpu.memref_slice %arg7[%mul3A_16, %dma_start3A_17] : memref<65536x32xf32, #tpu.memory_space<hbm>> -> memref<2048x32xf32, #tpu.memory_space<hbm>>
      %dma_start3A_19 = arith.constant 0 : i32
      %dma_start3A_20 = tpu.memref_slice %arg7[%mul3A_16, %dma_start3A_19] : memref<65536x32xf32, #tpu.memory_space<hbm>> -> memref<2048x32xf32, #tpu.memory_space<hbm>>
      tpu.enqueue_dma source(%arg11 : memref<2048x32xf32, #tpu.memory_space<vmem>>) target(%dma_start3A_20 : memref<2048x32xf32, #tpu.memory_space<hbm>>) target_semaphore(%run_scoped3A : memref<!tpu.dma_semaphore, #tpu.memory_space<semaphore_mem>>)
      %dma_wait3A_21 = arith.constant 0 : i32
      %dma_wait3A_22 = tpu.memref_slice %arg7[%mul3A_16, %dma_wait3A_21] : memref<65536x32xf32, #tpu.memory_space<hbm>> -> memref<2048x32xf32, #tpu.memory_space<hbm>>
      %dma_wait3A_23 = arith.constant 0 : i32
      %dma_wait3A_24 = tpu.memref_slice %arg7[%mul3A_16, %dma_wait3A_23] : memref<65536x32xf32, #tpu.memory_space<hbm>> -> memref<2048x32xf32, #tpu.memory_space<hbm>>
      tpu.wait_dma2 semaphore(%run_scoped3A : memref<!tpu.dma_semaphore, #tpu.memory_space<semaphore_mem>>) src(%arg11 : memref<2048x32xf32, #tpu.memory_space<vmem>>) dst(%dma_wait3A_24 : memref<2048x32xf32, #tpu.memory_space<hbm>>)
      tpu.yield
    }) : () -> ()
    return
  }
}

module attributes {stable_mosaic.version = 14 : i64} {
  func.func @_tc_loss_body(%arg0: i32, %arg1: memref<1024x32xf32, #tpu.memory_space<vmem>>, %arg2: memref<1024x128xf32, #tpu.memory_space<vmem>>, %arg3: memref<1024x4xf32, #tpu.memory_space<vmem>>, %arg4: memref<1x1xf32, #tpu.memory_space<vmem>>) attributes {dimension_semantics = [#tpu.dimension_semantics<arbitrary>], iteration_bounds = array<i64: 16>, scalar_prefetch = 0 : i64, scratch_operands = 0 : i64, tpu.core_type = #tpu.core_type<tc>, window_params = [{transform_indices = @transform_0, window_bounds = array<i64: 1024, 32>}, {transform_indices = @transform_1, window_bounds = array<i64: 1024, 128>}, {transform_indices = @transform_2, window_bounds = array<i64: 1024, 4>}, {pipeline_mode = #tpu.pipeline_mode<synchronous>, transform_indices = @transform_3, window_bounds = array<i64: 1, 1>}]} {
    %get3A = arith.constant 0 : index
    %get3A_0 = arith.constant 0 : index
    %get3A_1 = vector.load %arg1[%get3A, %get3A_0] : memref<1024x32xf32, #tpu.memory_space<vmem>>, vector<1024x32xf32>
    %mul3A = arith.mulf %get3A_1, %get3A_1 : vector<1024x32xf32>
    %reduce_sum3A = arith.constant dense<0.000000e+00> : vector<1024xf32>
    %reduce_sum3A_2 = vector.multi_reduction <add>, %mul3A, %reduce_sum3A [1] : vector<1024x32xf32> to vector<1024xf32>
    %broadcast_in_dim3A = vector.shape_cast %reduce_sum3A_2 : vector<1024xf32> to vector<1024x1xf32>
    %sqrt3A = math.sqrt %broadcast_in_dim3A : vector<1024x1xf32>
    %max3A = arith.constant 9.99999996E-13 : f32
    %max3A_3 = vector.broadcast %max3A : f32 to vector<1024x1xf32>
    %max3A_4 = arith.maximumf %sqrt3A, %max3A_3 : vector<1024x1xf32>
    %div3A = arith.constant 1.000000e+00 : f32
    %div3A_5 = vector.broadcast %div3A : f32 to vector<1024x1xf32>
    %div3A_6 = arith.divf %div3A_5, %max3A_4 : vector<1024x1xf32>
    %broadcast_in_dim3A_7 = arith.constant 0.000000e+00 : f32
    %broadcast_in_dim3A_8 = vector.broadcast %broadcast_in_dim3A_7 : f32 to vector<1x1xf32>
    %get3A_9 = arith.constant 0 : index
    %get3A_10 = arith.constant 0 : index
    %get3A_11 = vector.load %arg2[%get3A_9, %get3A_10] : memref<1024x128xf32, #tpu.memory_space<vmem>>, vector<1024x32xf32>
    %mul3A_12 = arith.mulf %get3A_11, %get3A_1 : vector<1024x32xf32>
    %reduce_sum3A_13 = arith.constant dense<0.000000e+00> : vector<1024xf32>
    %reduce_sum3A_14 = vector.multi_reduction <add>, %mul3A_12, %reduce_sum3A_13 [1] : vector<1024x32xf32> to vector<1024xf32>
    %broadcast_in_dim3A_15 = vector.shape_cast %reduce_sum3A_14 : vector<1024xf32> to vector<1024x1xf32>
    %mul3A_16 = arith.mulf %get3A_11, %get3A_11 : vector<1024x32xf32>
    %reduce_sum3A_17 = arith.constant dense<0.000000e+00> : vector<1024xf32>
    %reduce_sum3A_18 = vector.multi_reduction <add>, %mul3A_16, %reduce_sum3A_17 [1] : vector<1024x32xf32> to vector<1024xf32>
    %broadcast_in_dim3A_19 = vector.shape_cast %reduce_sum3A_18 : vector<1024xf32> to vector<1024x1xf32>
    %sqrt3A_20 = math.sqrt %broadcast_in_dim3A_19 : vector<1024x1xf32>
    %max3A_21 = arith.constant 9.99999996E-13 : f32
    %max3A_22 = vector.broadcast %max3A_21 : f32 to vector<1024x1xf32>
    %max3A_23 = arith.maximumf %sqrt3A_20, %max3A_22 : vector<1024x1xf32>
    %div3A_24 = arith.constant 1.000000e+00 : f32
    %div3A_25 = vector.broadcast %div3A_24 : f32 to vector<1024x1xf32>
    %div3A_26 = arith.divf %div3A_25, %max3A_23 : vector<1024x1xf32>
    %mul3A_27 = arith.mulf %broadcast_in_dim3A_15, %div3A_26 : vector<1024x1xf32>
    %mul3A_28 = arith.mulf %mul3A_27, %div3A_6 : vector<1024x1xf32>
    %neg3A = arith.constant 0.000000e+00 : f32
    %neg3A_29 = vector.broadcast %neg3A : f32 to vector<1024x1xf32>
    %neg3A_30 = arith.subf %neg3A_29, %mul3A_28 : vector<1024x1xf32>
    %get3A_31 = arith.constant 0 : index
    %get3A_32 = arith.constant 0 : index
    %get3A_33 = vector.load %arg3[%get3A_31, %get3A_32] : memref<1024x4xf32, #tpu.memory_space<vmem>>, vector<1024x1xf32>
    %mul3A_34 = arith.mulf %neg3A_30, %get3A_33 : vector<1024x1xf32>
    %max3A_35 = arith.constant 0.000000e+00 : f32
    %max3A_36 = vector.broadcast %max3A_35 : f32 to vector<1024x1xf32>
    %max3A_37 = arith.maximumf %mul3A_34, %max3A_36 : vector<1024x1xf32>
    %abs3A = math.absf %mul3A_34 : vector<1024x1xf32>
    %neg3A_38 = arith.constant 0.000000e+00 : f32
    %neg3A_39 = vector.broadcast %neg3A_38 : f32 to vector<1024x1xf32>
    %neg3A_40 = arith.subf %neg3A_39, %abs3A : vector<1024x1xf32>
    %exp3A = math.exp %neg3A_40 : vector<1024x1xf32>
    %log1p3A = math.log1p %exp3A : vector<1024x1xf32>
    %add3A = arith.addf %max3A_37, %log1p3A : vector<1024x1xf32>
    %reduce_sum3A_41 = arith.constant dense<0.000000e+00> : vector<1xf32>
    %reduce_sum3A_42 = vector.multi_reduction <add>, %add3A, %reduce_sum3A_41 [0] : vector<1024x1xf32> to vector<1xf32>
    %broadcast_in_dim3A_43 = vector.shape_cast %reduce_sum3A_42 : vector<1xf32> to vector<1x1xf32>
    %add3A_44 = arith.addf %broadcast_in_dim3A_8, %broadcast_in_dim3A_43 : vector<1x1xf32>
    %get3A_45 = arith.constant 0 : index
    %get3A_46 = arith.constant 32 : index
    %get3A_47 = vector.load %arg2[%get3A_45, %get3A_46] : memref<1024x128xf32, #tpu.memory_space<vmem>>, vector<1024x32xf32>
    %mul3A_48 = arith.mulf %get3A_47, %get3A_1 : vector<1024x32xf32>
    %reduce_sum3A_49 = arith.constant dense<0.000000e+00> : vector<1024xf32>
    %reduce_sum3A_50 = vector.multi_reduction <add>, %mul3A_48, %reduce_sum3A_49 [1] : vector<1024x32xf32> to vector<1024xf32>
    %broadcast_in_dim3A_51 = vector.shape_cast %reduce_sum3A_50 : vector<1024xf32> to vector<1024x1xf32>
    %mul3A_52 = arith.mulf %get3A_47, %get3A_47 : vector<1024x32xf32>
    %reduce_sum3A_53 = arith.constant dense<0.000000e+00> : vector<1024xf32>
    %reduce_sum3A_54 = vector.multi_reduction <add>, %mul3A_52, %reduce_sum3A_53 [1] : vector<1024x32xf32> to vector<1024xf32>
    %broadcast_in_dim3A_55 = vector.shape_cast %reduce_sum3A_54 : vector<1024xf32> to vector<1024x1xf32>
    %sqrt3A_56 = math.sqrt %broadcast_in_dim3A_55 : vector<1024x1xf32>
    %max3A_57 = arith.constant 9.99999996E-13 : f32
    %max3A_58 = vector.broadcast %max3A_57 : f32 to vector<1024x1xf32>
    %max3A_59 = arith.maximumf %sqrt3A_56, %max3A_58 : vector<1024x1xf32>
    %div3A_60 = arith.constant 1.000000e+00 : f32
    %div3A_61 = vector.broadcast %div3A_60 : f32 to vector<1024x1xf32>
    %div3A_62 = arith.divf %div3A_61, %max3A_59 : vector<1024x1xf32>
    %mul3A_63 = arith.mulf %broadcast_in_dim3A_51, %div3A_62 : vector<1024x1xf32>
    %mul3A_64 = arith.mulf %mul3A_63, %div3A_6 : vector<1024x1xf32>
    %neg3A_65 = arith.constant 0.000000e+00 : f32
    %neg3A_66 = vector.broadcast %neg3A_65 : f32 to vector<1024x1xf32>
    %neg3A_67 = arith.subf %neg3A_66, %mul3A_64 : vector<1024x1xf32>
    %get3A_68 = arith.constant 0 : index
    %get3A_69 = arith.constant 1 : index
    %get3A_70 = vector.load %arg3[%get3A_68, %get3A_69] : memref<1024x4xf32, #tpu.memory_space<vmem>>, vector<1024x1xf32>
    %mul3A_71 = arith.mulf %neg3A_67, %get3A_70 : vector<1024x1xf32>
    %max3A_72 = arith.constant 0.000000e+00 : f32
    %max3A_73 = vector.broadcast %max3A_72 : f32 to vector<1024x1xf32>
    %max3A_74 = arith.maximumf %mul3A_71, %max3A_73 : vector<1024x1xf32>
    %abs3A_75 = math.absf %mul3A_71 : vector<1024x1xf32>
    %neg3A_76 = arith.constant 0.000000e+00 : f32
    %neg3A_77 = vector.broadcast %neg3A_76 : f32 to vector<1024x1xf32>
    %neg3A_78 = arith.subf %neg3A_77, %abs3A_75 : vector<1024x1xf32>
    %exp3A_79 = math.exp %neg3A_78 : vector<1024x1xf32>
    %log1p3A_80 = math.log1p %exp3A_79 : vector<1024x1xf32>
    %add3A_81 = arith.addf %max3A_74, %log1p3A_80 : vector<1024x1xf32>
    %reduce_sum3A_82 = arith.constant dense<0.000000e+00> : vector<1xf32>
    %reduce_sum3A_83 = vector.multi_reduction <add>, %add3A_81, %reduce_sum3A_82 [0] : vector<1024x1xf32> to vector<1xf32>
    %broadcast_in_dim3A_84 = vector.shape_cast %reduce_sum3A_83 : vector<1xf32> to vector<1x1xf32>
    %add3A_85 = arith.addf %add3A_44, %broadcast_in_dim3A_84 : vector<1x1xf32>
    %get3A_86 = arith.constant 0 : index
    %get3A_87 = arith.constant 64 : index
    %get3A_88 = vector.load %arg2[%get3A_86, %get3A_87] : memref<1024x128xf32, #tpu.memory_space<vmem>>, vector<1024x32xf32>
    %mul3A_89 = arith.mulf %get3A_88, %get3A_1 : vector<1024x32xf32>
    %reduce_sum3A_90 = arith.constant dense<0.000000e+00> : vector<1024xf32>
    %reduce_sum3A_91 = vector.multi_reduction <add>, %mul3A_89, %reduce_sum3A_90 [1] : vector<1024x32xf32> to vector<1024xf32>
    %broadcast_in_dim3A_92 = vector.shape_cast %reduce_sum3A_91 : vector<1024xf32> to vector<1024x1xf32>
    %mul3A_93 = arith.mulf %get3A_88, %get3A_88 : vector<1024x32xf32>
    %reduce_sum3A_94 = arith.constant dense<0.000000e+00> : vector<1024xf32>
    %reduce_sum3A_95 = vector.multi_reduction <add>, %mul3A_93, %reduce_sum3A_94 [1] : vector<1024x32xf32> to vector<1024xf32>
    %broadcast_in_dim3A_96 = vector.shape_cast %reduce_sum3A_95 : vector<1024xf32> to vector<1024x1xf32>
    %sqrt3A_97 = math.sqrt %broadcast_in_dim3A_96 : vector<1024x1xf32>
    %max3A_98 = arith.constant 9.99999996E-13 : f32
    %max3A_99 = vector.broadcast %max3A_98 : f32 to vector<1024x1xf32>
    %max3A_100 = arith.maximumf %sqrt3A_97, %max3A_99 : vector<1024x1xf32>
    %div3A_101 = arith.constant 1.000000e+00 : f32
    %div3A_102 = vector.broadcast %div3A_101 : f32 to vector<1024x1xf32>
    %div3A_103 = arith.divf %div3A_102, %max3A_100 : vector<1024x1xf32>
    %mul3A_104 = arith.mulf %broadcast_in_dim3A_92, %div3A_103 : vector<1024x1xf32>
    %mul3A_105 = arith.mulf %mul3A_104, %div3A_6 : vector<1024x1xf32>
    %neg3A_106 = arith.constant 0.000000e+00 : f32
    %neg3A_107 = vector.broadcast %neg3A_106 : f32 to vector<1024x1xf32>
    %neg3A_108 = arith.subf %neg3A_107, %mul3A_105 : vector<1024x1xf32>
    %get3A_109 = arith.constant 0 : index
    %get3A_110 = arith.constant 2 : index
    %get3A_111 = vector.load %arg3[%get3A_109, %get3A_110] : memref<1024x4xf32, #tpu.memory_space<vmem>>, vector<1024x1xf32>
    %mul3A_112 = arith.mulf %neg3A_108, %get3A_111 : vector<1024x1xf32>
    %max3A_113 = arith.constant 0.000000e+00 : f32
    %max3A_114 = vector.broadcast %max3A_113 : f32 to vector<1024x1xf32>
    %max3A_115 = arith.maximumf %mul3A_112, %max3A_114 : vector<1024x1xf32>
    %abs3A_116 = math.absf %mul3A_112 : vector<1024x1xf32>
    %neg3A_117 = arith.constant 0.000000e+00 : f32
    %neg3A_118 = vector.broadcast %neg3A_117 : f32 to vector<1024x1xf32>
    %neg3A_119 = arith.subf %neg3A_118, %abs3A_116 : vector<1024x1xf32>
    %exp3A_120 = math.exp %neg3A_119 : vector<1024x1xf32>
    %log1p3A_121 = math.log1p %exp3A_120 : vector<1024x1xf32>
    %add3A_122 = arith.addf %max3A_115, %log1p3A_121 : vector<1024x1xf32>
    %reduce_sum3A_123 = arith.constant dense<0.000000e+00> : vector<1xf32>
    %reduce_sum3A_124 = vector.multi_reduction <add>, %add3A_122, %reduce_sum3A_123 [0] : vector<1024x1xf32> to vector<1xf32>
    %broadcast_in_dim3A_125 = vector.shape_cast %reduce_sum3A_124 : vector<1xf32> to vector<1x1xf32>
    %add3A_126 = arith.addf %add3A_85, %broadcast_in_dim3A_125 : vector<1x1xf32>
    %get3A_127 = arith.constant 0 : index
    %get3A_128 = arith.constant 96 : index
    %get3A_129 = vector.load %arg2[%get3A_127, %get3A_128] : memref<1024x128xf32, #tpu.memory_space<vmem>>, vector<1024x32xf32>
    %mul3A_130 = arith.mulf %get3A_129, %get3A_1 : vector<1024x32xf32>
    %reduce_sum3A_131 = arith.constant dense<0.000000e+00> : vector<1024xf32>
    %reduce_sum3A_132 = vector.multi_reduction <add>, %mul3A_130, %reduce_sum3A_131 [1] : vector<1024x32xf32> to vector<1024xf32>
    %broadcast_in_dim3A_133 = vector.shape_cast %reduce_sum3A_132 : vector<1024xf32> to vector<1024x1xf32>
    %mul3A_134 = arith.mulf %get3A_129, %get3A_129 : vector<1024x32xf32>
    %reduce_sum3A_135 = arith.constant dense<0.000000e+00> : vector<1024xf32>
    %reduce_sum3A_136 = vector.multi_reduction <add>, %mul3A_134, %reduce_sum3A_135 [1] : vector<1024x32xf32> to vector<1024xf32>
    %broadcast_in_dim3A_137 = vector.shape_cast %reduce_sum3A_136 : vector<1024xf32> to vector<1024x1xf32>
    %sqrt3A_138 = math.sqrt %broadcast_in_dim3A_137 : vector<1024x1xf32>
    %max3A_139 = arith.constant 9.99999996E-13 : f32
    %max3A_140 = vector.broadcast %max3A_139 : f32 to vector<1024x1xf32>
    %max3A_141 = arith.maximumf %sqrt3A_138, %max3A_140 : vector<1024x1xf32>
    %div3A_142 = arith.constant 1.000000e+00 : f32
    %div3A_143 = vector.broadcast %div3A_142 : f32 to vector<1024x1xf32>
    %div3A_144 = arith.divf %div3A_143, %max3A_141 : vector<1024x1xf32>
    %mul3A_145 = arith.mulf %broadcast_in_dim3A_133, %div3A_144 : vector<1024x1xf32>
    %mul3A_146 = arith.mulf %mul3A_145, %div3A_6 : vector<1024x1xf32>
    %neg3A_147 = arith.constant 0.000000e+00 : f32
    %neg3A_148 = vector.broadcast %neg3A_147 : f32 to vector<1024x1xf32>
    %neg3A_149 = arith.subf %neg3A_148, %mul3A_146 : vector<1024x1xf32>
    %get3A_150 = arith.constant 0 : index
    %get3A_151 = arith.constant 3 : index
    %get3A_152 = vector.load %arg3[%get3A_150, %get3A_151] : memref<1024x4xf32, #tpu.memory_space<vmem>>, vector<1024x1xf32>
    %mul3A_153 = arith.mulf %neg3A_149, %get3A_152 : vector<1024x1xf32>
    %max3A_154 = arith.constant 0.000000e+00 : f32
    %max3A_155 = vector.broadcast %max3A_154 : f32 to vector<1024x1xf32>
    %max3A_156 = arith.maximumf %mul3A_153, %max3A_155 : vector<1024x1xf32>
    %abs3A_157 = math.absf %mul3A_153 : vector<1024x1xf32>
    %neg3A_158 = arith.constant 0.000000e+00 : f32
    %neg3A_159 = vector.broadcast %neg3A_158 : f32 to vector<1024x1xf32>
    %neg3A_160 = arith.subf %neg3A_159, %abs3A_157 : vector<1024x1xf32>
    %exp3A_161 = math.exp %neg3A_160 : vector<1024x1xf32>
    %log1p3A_162 = math.log1p %exp3A_161 : vector<1024x1xf32>
    %add3A_163 = arith.addf %max3A_156, %log1p3A_162 : vector<1024x1xf32>
    %reduce_sum3A_164 = arith.constant dense<0.000000e+00> : vector<1xf32>
    %reduce_sum3A_165 = vector.multi_reduction <add>, %add3A_163, %reduce_sum3A_164 [0] : vector<1024x1xf32> to vector<1xf32>
    %broadcast_in_dim3A_166 = vector.shape_cast %reduce_sum3A_165 : vector<1xf32> to vector<1x1xf32>
    %add3A_167 = arith.addf %add3A_126, %broadcast_in_dim3A_166 : vector<1x1xf32>
    %eq3A = arith.constant 0 : i32
    %eq3A_168 = arith.cmpi eq, %arg0, %eq3A : i32
    %convert_element_type3A = arith.extui %eq3A_168 : i1 to i32
    %cond3A = arith.constant 0 : i32
    %cond3A_169 = arith.cmpi ne, %convert_element_type3A, %cond3A : i32
    scf.if %cond3A_169 {
      %broadcast_in_dim3A_179 = arith.constant 0.000000e+00 : f32
      %broadcast_in_dim3A_180 = vector.broadcast %broadcast_in_dim3A_179 : f32 to vector<1x1xf32>
      %swap3A_181 = arith.constant 0 : index
      %swap3A_182 = arith.constant 0 : index
      %swap3A_183 = vector.load %arg4[%swap3A_181, %swap3A_182] : memref<1x1xf32, #tpu.memory_space<vmem>>, vector<1x1xf32>
      tpu.vector_store %arg4[%swap3A_181, %swap3A_182], %broadcast_in_dim3A_180 {strides = array<i32>} : memref<1x1xf32, #tpu.memory_space<vmem>>, vector<1x1xf32>,
    } else {
    }
    %get3A_170 = arith.constant 0 : index
    %get3A_171 = arith.constant 0 : index
    %get3A_172 = vector.load %arg4[%get3A_170, %get3A_171] : memref<1x1xf32, #tpu.memory_space<vmem>>, vector<1x1xf32>
    %mul3A_173 = arith.constant 1.52587891E-5 : f32
    %mul3A_174 = vector.broadcast %mul3A_173 : f32 to vector<1x1xf32>
    %mul3A_175 = arith.mulf %add3A_167, %mul3A_174 : vector<1x1xf32>
    %add3A_176 = arith.addf %get3A_172, %mul3A_175 : vector<1x1xf32>
    %swap3A = arith.constant 0 : index
    %swap3A_177 = arith.constant 0 : index
    %swap3A_178 = vector.load %arg4[%swap3A, %swap3A_177] : memref<1x1xf32, #tpu.memory_space<vmem>>, vector<1x1xf32>
    tpu.vector_store %arg4[%swap3A, %swap3A_177], %add3A_176 {strides = array<i32>} : memref<1x1xf32, #tpu.memory_space<vmem>>, vector<1x1xf32>,
    return
  }
  func.func @transform_0(%arg0: i32) -> (i32, i32) {
    %c0_i32 = arith.constant 0 : i32
    %c0_i32_0 = arith.constant 0 : i32
    return %arg0, %c0_i32 : i32, i32
  }
  func.func @transform_1(%arg0: i32) -> (i32, i32) {
    %c0_i32 = arith.constant 0 : i32
    %c0_i32_0 = arith.constant 0 : i32
    return %arg0, %c0_i32 : i32, i32
  }
  func.func @transform_2(%arg0: i32) -> (i32, i32) {
    %c0_i32 = arith.constant 0 : i32
    %c0_i32_0 = arith.constant 0 : i32
    return %arg0, %c0_i32 : i32, i32
  }
  func.func @transform_3(%arg0: i32) -> (i32, i32) {
    %c0_i32 = arith.constant 0 : i32
    %c0_i32_0 = arith.constant 0 : i32
    %c0_i32_1 = arith.constant 0 : i32
    return %c0_i32, %c0_i32_0 : i32, i32
  }
}

</mosaic_0001>

<sc_bundles>
// kernel: kernel.4.cloned.1.call-start
scs
__scs_entry_jumppad:
0x0: {  	(pc) =	sbr.rel $0x88, $3  }
0x1: {  	(tag) =	ssettag $0x0;
	lr =	simm.s32 $0x1  }
0x2: {  	[smem:$0x3F9C] =	sst lr;
	_ =	strace $0xD0000000  }
0x3: {  	_ = 	snop  }
0x4: {  	_ = 	snop  }
0x5: {  	_ = 	snop  }
0x6: {  	_ = 	snop  }
0x7: {  	_ = 	snop  }
__scs_overlays_trampoline_lowered:
0x8: {  	[smem:$0x3FAB] =	sst s0  }
0x9: {  	[smem:$0x3FAC] =	sst s1  }
0xa: {  	[smem:$0x3FAD] =	sst s2  }
0xb: {  	[smem:$0x3FAE] =	sst s3  }
0xc: {  	[smem:$0x3FAF] =	sst s4  }
0xd: {  	[smem:$0x3FB0] =	sst s5  }
0xe: {  	[smem:$0x3FB1] =	sst s6  }
0xf: {  	[smem:$0x3FB2] =	sst s7  }
0x10: {  	[smem:$0x3FB3] =	sst s8  }
0x11: {  	[smem:$0x3FB4] =	sst s9;
	s0 =	simm.s32 @!p0 $0x0  }
0x12: {  	s1 =	sld [smem:$0x3F9A];
	s0 =	simm.s32 @p0 $0x1  }
0x13: {  	[smem:$0x3FB5] =	sst s0;
	s0 =	simm.s32 @!p1 $0x0  }
0x14: {  	s2 =	sld [smem:$0x3F99];
	s0 =	simm.s32 @p1 $0x1  }
0x15: {  	[smem:$0x3FB6] =	sst s0;
	s0 =	simm.s32 @!p2 $0x0  }
0x16: {  	s3 =	sld [smem:$0x3FDB];
	s0 =	simm.s32 @p2 $0x1  }
0x17: {  	s4 =	simm.s32 $0x1BF5;
	[smem:$0x3FB8] =	sst s0  }
0x18: {  	s0 =	sld [smem:$0x3F9B];
	_ =	swait.ge [sflag:s4], $0x0  }
0x19: {  	s7 =	sld [smem:$0x3F9C]  }
0x1a: {  	s8 =	sadd.s32 $0xFFFFE003, lr  }
0x1b: {  	s9 =	sadd.s32 $0xFFFFFEF7, lr;
	s5 =	simm.s32 $0xFFFFFFFF;
	p2 =	slt.u32 s8, $0xFFFFF086  }
0x1c: {  	p1 =	slt.u32 s9, $0xF7A;
	s5 =	simm.s32 @!p2 $0x0  }
0x1d: {  	s5 =	simm.s32 @p1 $0x1;
	p0 =	seq.s32 s7, s2  }
0x1e: {  	s7 =	smul.u32 @!p0 $0xF7A, s2;
	p2 =	seq.s32 @!p0 s5, $0x0  }
0x1f: {  	s9 =	smul.u32 $0xF7A, s1;
	s8 =	simm.s32 @!p0 $0x1BF5;
	p2 =	por !p2, p0  }
0x20: {  	[sflag:s8] =	ssyncset.s32 @!p0 $0xFFFFF086;
	s6 =	sadd.s32 @!p0 s3, s7;
	s7 =	simm.s32 @!p0 $0x108  }
0x21: {  	s3 =	sadd.s32 s3, s9;
	s6 =	sadd.s32 @!p0 $0x88, s6;
	s7 =	simm.s32 @p2 $0x1082  }
0x22: {  	[simem:s7], [sflag:s8] =	dma.local @!p0 [hbm:s6], $0xF7A  }
0x23: {  	s9 =	sor.u32 $0xD0000000, s2;
	s6 =	simm.s32 $0x108;
	_ =	swait.ge @!p0 [sflag:s8], $0x0  }
0x24: {  	s3 =	sadd.s32 $0x88, s3;
	s6 =	simm.s32 @!p1 $0x1082;
	[sflag:s4] =	ssyncset.s32 $0xFFFFF086  }
0x25: {  	[simem:s6], [sflag:s4] =	dma.local [hbm:s3], $0xF7A  }
0x26: {  	[smem:$0x3F9C] =	sst s1;
	(tag) =	ssettag s2;
	_ =	strace s9  }
0x27: {  	s1 =	sld [smem:$0x3FAC]  }
0x28: {  	s2 =	sld [smem:$0x3FAD]  }
0x29: {  	s4 =	sld [smem:$0x3FAF]  }
0x2a: {  	p0 =	seq.s32 s5, $0x0;
	s5 =	sld [smem:$0x3FB0]  }
0x2b: {  	s6 =	sld [smem:$0x3FB1]  }
0x2c: {  	s7 =	sld [smem:$0x3FB2]  }
0x2d: {  	s3 =	simm.s32 $0x108;
	s8 =	sld [smem:$0x3FB3]  }
0x2e: {  	s3 =	simm.s32 @!p0 $0x1082;
	s9 =	sld [smem:$0x3FB4]  }
0x2f: {  	lr =	sadd.s32 s0, s3;
	s0 =	sld [smem:$0x3FAB]  }
0x30: {  	s3 =	sld [smem:$0x3FAE]  }
0x31: {  	[smem:$0x3FB7] =	sst s10  }
0x32: {  	s10 =	sld [smem:$0x3FB5];
	_ =	sdelay $0x3  }
0x33: {  	p0 =	seq.s32 s10, $0x1;
	s10 =	sld [smem:$0x3FB7];
	_ =	sdelay $0x3  }
0x34: {  	[smem:$0x3FB7] =	sst s10  }
0x35: {  	s10 =	sld [smem:$0x3FB6];
	_ =	sdelay $0x3  }
0x36: {  	p1 =	seq.s32 s10, $0x1;
	s10 =	sld [smem:$0x3FB7];
	_ =	sdelay $0x3  }
0x37: {  	[smem:$0x3FB7] =	sst s10  }
0x38: {  	s10 =	sld [smem:$0x3FB8]  }
0x39: {  	_ = 	snop;
	(pc) =	sbr.ind lr, $3  }
0x3a: {  	_ = 	snop  }
0x3b: {  	_ = 	snop  }
0x3c: {  	p2 =	seq.s32 s10, $0x1;
	s10 =	sld [smem:$0x3FB7]  }
0x3d: {  	_ =	shalt  }
0x3e: {  	_ =	shalt  }
0x3f: {  	_ =	shalt  }
0x40: {  	_ =	shalt  }
0x41: {  	_ =	shalt  }
0x42: {  	_ =	shalt  }
0x43: {  	_ =	shalt  }
0x44: {  	_ =	shalt  }
0x45: {  	_ =	shalt  }
0x46: {  	_ =	shalt  }
0x47: {  	_ =	shalt  }
0x48: {  	_ =	shalt  }
0x49: {  	_ =	shalt  }
0x4a: {  	_ =	shalt  }
0x4b: {  	_ =	shalt  }
0x4c: {  	_ =	shalt  }
0x4d: {  	_ =	shalt  }
0x4e: {  	_ =	shalt  }
0x4f: {  	_ =	shalt  }
0x50: {  	_ =	shalt  }
0x51: {  	_ =	shalt  }
0x52: {  	_ =	shalt  }
0x53: {  	_ =	shalt  }
0x54: {  	_ =	shalt  }
0x55: {  	_ =	shalt  }
0x56: {  	_ =	shalt  }
0x57: {  	_ =	shalt  }
0x58: {  	_ =	shalt  }
0x59: {  	_ =	shalt  }
0x5a: {  	_ =	shalt  }
0x5b: {  	_ =	shalt  }
0x5c: {  	_ =	shalt  }
0x5d: {  	_ =	shalt  }
0x5e: {  	_ =	shalt  }
0x5f: {  	_ =	shalt  }
0x60: {  	_ =	shalt  }
0x61: {  	_ =	shalt  }
0x62: {  	_ =	shalt  }
0x63: {  	_ =	shalt  }
0x64: {  	_ =	shalt  }
0x65: {  	_ =	shalt  }
0x66: {  	_ =	shalt  }
0x67: {  	_ =	shalt  }
0x68: {  	_ =	shalt  }
0x69: {  	_ =	shalt  }
0x6a: {  	_ =	shalt  }
0x6b: {  	_ =	shalt  }
0x6c: {  	_ =	shalt  }
0x6d: {  	_ =	shalt  }
0x6e: {  	_ =	shalt  }
0x6f: {  	_ =	shalt  }
0x70: {  	_ =	shalt  }
0x71: {  	_ =	shalt  }
0x72: {  	_ =	shalt  }
0x73: {  	_ =	shalt  }
0x74: {  	_ =	shalt  }
0x75: {  	_ =	shalt  }
0x76: {  	_ =	shalt  }
0x77: {  	_ =	shalt  }
0x78: {  	_ =	shalt  }
0x79: {  	_ =	shalt  }
0x7a: {  	_ =	shalt  }
0x7b: {  	_ =	shalt  }
0x7c: {  	_ =	shalt  }
0x7d: {  	_ =	shalt  }
0x7e: {  	_ =	shalt  }
0x7f: {  	_ =	shalt  }
0x80: {  	_ =	shalt  }
0x81: {  	_ =	shalt  }
0x82: {  	_ =	shalt  }
0x83: {  	_ =	shalt  }
0x84: {  	_ =	shalt  }
0x85: {  	_ =	shalt  }
0x86: {  	_ =	shalt  }
0x87: {  	_ =	shalt  }
.Lfunc_end0:
.L_simem_size_0:
called_computation_lowered:
.L_overlay_start_0:
0x88: {  	s2 =	sld [smem:$0x3FD9]  }
0x89: {  	s3 =	sld [smem:$0x3FFE];
	_ =	sdelay $0x1  }
0x8a: {  	s1 =	srdreg.scid  }
0x8b: {  	s0 =	sand.u32 $0x1, s1  }
0x8c: {  	s16 =	sshll.u32 s0, $0xA;
	s2 =	sadd.s32 s3, s2  }
0x8d: {  	s2 =	sadd.s32 s2, s16  }
0x8e: {  	[smem:$0x3FC3] =	sst s2  }
0x8f: {  	_ = 	snop  }
0x90: {  	(tm) =	ssettm $0x1  }
0x91: {  	s17 =	sld [smem:$0x3FFB];
	_ =	sdelay $0x3  }
0x92: {  	_ =	strace s17  }
0x93: {  	s2 =	sld [smem:$0x3FFC];
	_ =	sdelay $0x3  }
0x94: {  	_ =	strace s2  }
0x95: {  	s2 =	sld [smem:$0x3FFD];
	_ =	sdelay $0x3  }
0x96: {  	_ =	strace s2  }
0x97: {  	_ =	strace $0x8FFFFFFF  }
0x98: {  	s18 =	sld [smem:$0x3FDB];
	_ =	sdelay $0x1  }
0x99: {  	s19 =	simm.s32 $_scs_section_size  }
0x9a: {  	s4 =	simm.s32 $_size__tile_overlayer_lowered;
	s5 =	simm.s32 $_tile_overlayer_lowered  }
0x9b: {  	s22 =	simm.s32 $0x1BFF;
	s21 =	sshll.u32 s5, $0x1;
	s2 =	sadd.s32 s19, s18  }
0x9c: {  	s6 =	simm.s32 $0x0;
	s20 =	sshll.u32 s4, $0x1;
	s4 =	sadd.s32 s21, s2  }
0x9d: {  	[timem:s6], [sflag:s22] =	dma.local [hbm:s4], s20  }
0x9e: {  	_ =	swait.ge [sflag:s22], s20  }
0x9f: {  	s3 =	ssub.s32 $0x0, s20;
	[sflag:s22] =	ssyncset.done $0x0  }
0xa0: {  	[sflag:s22] =	ssyncadd.s32 s3;
	_ =	sdelay $0x1  }
0xa1: {  	s23 =	simm.s32 $0x1B8B  }
0xa2: {  	_ =	swait.ge [sflag:s23], $0x1  }
0xa3: {  	[sflag:s23] =	ssyncset.done $0x0  }
0xa4: {  	s25 =	simm.s32 $0x1B8E;
	s24 =	sld [smem:$0x3FFE];
	[sflag:s23] =	ssyncadd.s32 $0xFFFFFFFF  }
0xa5: {  	s26 =	simm.s32 $execute0_lowered;
	[smem:$0x3FD2] =	sst s25  }
0xa6: {  	s4 =	sshll.u32 s26, $0x1;
	_ =	strace $0x80000046;
	[dreg:$0x1] =	wrdreg $0xFFFFFFFF  }
0xa7: {  	s28 =	simm.s32 $_size_execute0_lowered;
	s2 =	sadd.s32 s2, s4;
	[dreg:$0x0] =	wrdreg $0x0  }
0xa8: {  	s4 =	sshll.u32 s28, $0x1;
	[dreg:$0x2] =	wrdreg s2  }
0xa9: {  	[dreg:$0x3] =	wrdreg s4  }
0xaa: {  	[dreg:$0x4] =	wrdreg $0xC0  }
0xab: {  	_ =	task [dreg:s6], $0x5FFFF  }
0xac: {  	[dreg:$0x1] =	wrdreg $0xFFFFFFFF  }
0xad: {  	[dreg:$0x0] =	wrdreg $0x60  }
0xae: {  	[dreg:$0x2] =	wrdreg s24  }
0xaf: {  	[dreg:$0x3] =	wrdreg $0x9  }
0xb0: {  	_ =	task.clear_ibuf [dreg:s6], $0x4FFFF;
	_ =	strace $0x90000046  }
0xb1: {  	s29 =	simm.s32 $0x9;
	_ =	strace $0x80000048  }
0xb2: {  	_ =	swait.ge [sflag:s29], $0x1  }
0xb3: {  	[sflag:s29] =	ssyncadd.s32 $0xFFFFFFFF  }
0xb4: {  	_ =	strace $0x90000048  }
0xb5: {  	_ =	sfence  }
0xb6: {  	s30 =	sld [smem:$0x0];
	_ =	sdelay $0x2  }
0xb7: {  	s31 =	sshll.u32 s1, $0xD;
	s1 =	sshrl.u32 s1, $0x2  }
0xb8: {  	s3 =	sand.u32 $0x4000, s31;
	s1 =	sadd.s32 s1, s30  }
0xb9: {  	s0 =	sor.u32 s3, s0;
	s1 =	sshll.u32 s1, $0x11  }
0xba: {  	s0 =	sor.u32 s1, s0  }
0xbb: {  	s0 =	sadd.s32 $0x8F2B, s0  }
0xbc: {  	[sflag:s0] =	ssyncadd.remote.s32 $0x1  }
0xbd: {  	_ =	sfence.sel $0xFFFF  }
0xbe: {  	[dreg:$0x0] =	wrdreg $0xFFFFFFFF;
	(pc) =	sbr.abs _section_cstart, $3  }
0xbf: {  	[dreg:$0x1] =	wrdreg $0xFFFFFFFF  }
0xc0: {  	_ =	task.clear_ibuf [dreg:s6], $0x2FFFF;
	_ =	strace $0x9FFFFFFF  }
0xc1: {  	(tm) =	ssettm $0x7FFFFFFF  }
tec
execute0_lowered:
.L_overlay_start_1:
0x0: {  	(tag) =	ssettag $0x1  }
0x1: {  	s1 =	srdreg.scid;
	s0 =	stileid.u32  }
0x2: {  	s14 =	sand.u32 $0x1, s1;
	s29 =	sshll.u32 s0, $0x1  }
0x3: {  	s15 =	rddreg [dreg:$0x0];
	s16 =	sor.u32 s14, s29  }
0x4: {  	s2 =	simm.s32 $0x0;
	s1 =	rddreg [dreg:$0x1];
	s3 =	sshll.u32 s16, $0x6  }
0x5: {  	[smem:$0x7FF] =	sst s2;
	s3 =	sadd.s32 s3, s15  }
0x6: {  	_ =	strace $0x80000047;
	s4 =	sadd.s32 $0x3000, s3;
	s3 =	simm.s32 $0x3  }
0x7: {  	[tilespmem:s2], [sflag:$0x3] =	stream.linear.gather [hbm4b:s4+s2], $0x200, $0x38;
	[tilespmem:$0x14A00] =	vst v63  }
0x8: {  	s5 =	sshll.u32 s16, $0x8;
	_ =	swait.ge [sflag:s3], $0x200  }
0x9: {  	s5 =	sadd.s32 s5, s15;
	[sflag:s3] =	ssyncset.done $0x0  }
0xa: {  	s6 =	simm.s32 $0x200;
	s5 =	sadd.s32 $0x1000, s5;
	[sflag:s3] =	ssyncadd.s32 $0xFFFFFE00  }
0xb: {  	[tilespmem:s6], [sflag:$0x3] =	stream.linear.gather [hbm4b:s5+s2], $0x800, $0x38;
	[tilespmem:$0x14A00] =	vst v63  }
0xc: {  	_ =	swait.ge [sflag:s3], $0x800  }
0xd: {  	s9 =	simm.s32 $0xA00;
	[sflag:s3] =	ssyncset.done $0x0  }
0xe: {  	s10 =	simm.s32 $0x800;
	s7 =	sadd.s32 $0x1313E00, s15;
	[sflag:s3] =	ssyncadd.s32 $0xFFFFF800  }
0xf: {  	[tilespmem:s9], [sflag:$0x1] =	stream.indirect.gather [hbm4b:s7+s6], $0x20, s2, s6, $0xb8;
	[tilespmem:$0x14A00] =	vst v63  }
0x10: {  	s11 =	simm.s32 $0x4A00;
	s12 =	simm.s32 $0x1;
	s8 =	sadd.s32 $0xF43400, s15  }
0x11: {  	[tilespmem:s11], [sflag:$0x2] =	stream.indirect.gather [hbm4b:s8+s10], $0x20, s6, s10, $0xb8;
	[tilespmem:$0x14A00] =	vst v63  }
0x12: {  	_ =	swait.ge [sflag:s12], $0x4000  }
0x13: {  	s13 =	simm.s32 $0x2;
	s18 =	ssub.s32 $0x2, s14;
	[sflag:s12] =	ssyncset.done $0x0  }
0x14: {  	s17 =	sshll.u32 s16, $0xB;
	s16 =	sshll.u32 s16, $0xD;
	[sflag:s12] =	ssyncadd.s32 $0xFFFFC000  }
0x15: {  	s30 =	sshrl.u32 s18, $0x1;
	s17 =	sadd.s32 s17, s15;
	_ =	swait.ge [sflag:s13], $0x10000  }
0x16: {  	s15 =	sadd.s32 s16, s15;
	s31 =	ssub.s32 s18, s30;
	[sflag:s13] =	ssyncset.done $0x0  }
0x17: {  	s14 =	sadd.s32 $0x3800, s17;
	s16 =	smax.u32 s31, $0x1;
	[sflag:s13] =	ssyncadd.s32 $0xFFFF0000  }
0x18: {  	[hbm4b:s14+s2] =	stream.linear.scatter [tilespmem:s9], [sflag:$0x3], $0x4000, $0x38;
	[tilespmem:$0x14A00] =	vst v63  }
0x19: {  	p0 =	sne.s32 s16, $0x1;
	_ =	swait.ge [sflag:s3], $0x4000  }
.Ltmp0:
0x1a: {  	[sflag:s3] =	ssyncset.done $0x0;
	(pc) =	sbr.rel @!p0 .LBB2_2-.Ltmp0, $4  }
0x1b: {  	s15 =	sadd.s32 $0x13800, s15;
	[sflag:s3] =	ssyncadd.s32 $0xFFFFC000  }
0x1c: {  	[hbm4b:s15+s2] =	stream.linear.scatter [tilespmem:s11], [sflag:$0x3], $0x10000, $0x38;
	[tilespmem:$0x14A00] =	vst v63  }
0x1d: {  	_ =	swait.ge [sflag:s3], $0x10000  }
0x1e: {  	s16 =	sadd.s32 $0xFFFFFFFF, s16;
	[sflag:s3] =	ssyncset.done $0x0  }
.LBB2_1:
0x1f: {  	p0 =	sne.s32 s16, $0x1;
	s16 =	sadd.s32 $0xFFFFFFFF, s16;
	[sflag:s3] =	ssyncadd.s32 $0xFFFF0000  }
0x20: {  	[tilespmem:s2], [sflag:$0x3] =	stream.linear.gather [hbm4b:s4+s2], $0x200, $0x38;
	[tilespmem:$0x14A00] =	vst v63  }
0x21: {  	_ =	swait.ge [sflag:s3], $0x200  }
0x22: {  	[sflag:s3] =	ssyncset.done $0x0  }
0x23: {  	[sflag:s3] =	ssyncadd.s32 $0xFFFFFE00  }
0x24: {  	[tilespmem:s6], [sflag:$0x3] =	stream.linear.gather [hbm4b:s5+s2], $0x800, $0x38;
	[tilespmem:$0x14A00] =	vst v63  }
0x25: {  	_ =	swait.ge [sflag:s3], $0x800  }
0x26: {  	[sflag:s3] =	ssyncset.done $0x0  }
0x27: {  	[sflag:s3] =	ssyncadd.s32 $0xFFFFF800  }
0x28: {  	[tilespmem:s9], [sflag:$0x1] =	stream.indirect.gather [hbm4b:s7+s6], $0x20, s2, s6, $0xb8;
	[tilespmem:$0x14A00] =	vst v63  }
0x29: {  	_ = 	snop  }
0x2a: {  	[tilespmem:s11], [sflag:$0x2] =	stream.indirect.gather [hbm4b:s8+s10], $0x20, s6, s10, $0xb8;
	[tilespmem:$0x14A00] =	vst v63  }
0x2b: {  	_ =	swait.ge [sflag:s12], $0x4000  }
0x2c: {  	[sflag:s12] =	ssyncset.done $0x0  }
0x2d: {  	[sflag:s12] =	ssyncadd.s32 $0xFFFFC000  }
0x2e: {  	_ =	swait.ge [sflag:s13], $0x10000  }
0x2f: {  	[sflag:s13] =	ssyncset.done $0x0  }
0x30: {  	[sflag:s13] =	ssyncadd.s32 $0xFFFF0000  }
0x31: {  	[hbm4b:s14+s2] =	stream.linear.scatter [tilespmem:s9], [sflag:$0x3], $0x4000, $0x38;
	[tilespmem:$0x14A00] =	vst v63  }
0x32: {  	_ =	swait.ge [sflag:s3], $0x4000  }
.Ltmp1:
0x33: {  	[sflag:s3] =	ssyncset.done $0x0;
	(pc) =	sbr.rel @p0 .LBB2_1-.Ltmp1, $4  }
0x34: {  	[sflag:s3] =	ssyncadd.s32 $0xFFFFC000  }
0x35: {  	[hbm4b:s15+s2] =	stream.linear.scatter [tilespmem:s11], [sflag:$0x3], $0x10000, $0x38;
	[tilespmem:$0x14A00] =	vst v63  }
0x36: {  	_ =	swait.ge [sflag:s3], $0x10000  }
0x37: {  	[sflag:s3] =	ssyncset.done $0x0  }
.LBB2_2:
0x38: {  	[sflag:s3] =	ssyncadd.s32 $0xFFFF0000  }
0x39: {  	_ =	sfence.sel $0x180000  }
0x3a: {  	[bflag:$0x0] =	sbarrier.arrive $0xFFFF  }
0x3b: {  	p0 =	sne.s32 s0, $0x0;
	_ =	strace $0x90000047  }
0x3c: {  	s0 =	sadd.s32 @!p0 $0x100000, s1;
	[bflag:$0x2] =	sbarrier.arrive $0xFFFF  }
0x3d: {  	[sflag:s0] =	ssyncadd.tile.s32 @!p0 $0x1;
	_ =	shalt  }
.Lfunc_end2:
_tile_overlayer_lowered:
.L_overlay_start_2:
0x3e: {  	(tag) =	ssettag $0x2  }
0x3f: {  	s0 =	rddreg [dreg:$0x0];
	s2 =	stileid.u32  }
0x40: {  	s1 =	rddreg [dreg:$0x1];
	p0 =	sne.s32 s2, $0x0  }
0x41: {  	s3 =	rddreg [dreg:$0x2];
	[bflag:$0x3] =	sbarrier.arrive $0xFFFF;
	s2 =	simm.s32 @!p0 $0x1C03  }
0x42: {  	[timem:s3], [sflag:s2] =	dma.local @!p0 [hbm:s0], s1  }
0x43: {  	s0 =	simm.s32 @!p0 $0x3  }
0x44: {  	_ =	swait.ge @!p0 [sflag:s0], s1  }
0x45: {  	s1 =	ssub.s32 @!p0 $0x0, s1;
	[sflag:s0] =	ssyncset.done @!p0 $0x0  }
0x46: {  	[sflag:s0] =	ssyncadd.s32 @!p0 s1  }
0x47: {  	[bflag:$0x3] =	sbarrier.arrive $0xFFFF  }
0x48: {  	_ =	shalt  }

</sc_bundles>
